<compile_context>
chip_gen: v7x
topology: tpu7x:2x2x1
jax: 0.10.2.dev20260603
libtpu: 0.0.44.dev20260713+nightly
codegen_flags: <defaults>
</compile_context>

<pallas_src>
import functools

import jax
import jax.numpy as jnp
from jax import lax
from jax.experimental import pallas as pl
from jax.experimental.pallas import tpu as pltpu
from jax.experimental.pallas import tpu_sc as plsc

B = 16
MAXLEN = 4096
N = 32768
D = 256

BLK = 4096
NBLK = N // BLK

ALIGN = 16
WIN = MAXLEN // 2
BUF = WIN + ALIGN
LPAD = N + 2 * BLK


def _mlp_body(x_ref, w1_ref, b1_ref, w2_ref, b2_ref, w3_ref, b3_ref,
              wo_ref, bo_ref, seg_ref, logits_ref, meta_ref, cnt_acc):
    i = pl.program_id(0)
    h = jnp.maximum(jnp.dot(x_ref[...], w1_ref[...],
                            preferred_element_type=jnp.float32) + b1_ref[...], 0.0)
    h = jnp.maximum(jnp.dot(h, w2_ref[...],
                            preferred_element_type=jnp.float32) + b2_ref[...], 0.0)
    h = jnp.maximum(jnp.dot(h, w3_ref[...],
                            preferred_element_type=jnp.float32) + b3_ref[...], 0.0)
    row = lax.dot_general(wo_ref[...], h, (((0,), (1,)), ((), ())),
                          preferred_element_type=jnp.float32) + bo_ref[...]
    logits_ref[...] = row.reshape(BLK // 128, 128)

    seg = seg_ref[0]
    iot = lax.broadcasted_iota(jnp.int32, (B, BLK), 0)
    cnt = jnp.sum((seg == iot).astype(jnp.int32), axis=1, keepdims=True)

    @pl.when(i == 0)
    def _():
        cnt_acc[...] = cnt

    @pl.when(i != 0)
    def _():
        cnt_acc[...] = cnt_acc[...] + cnt

    @pl.when(i == NBLK - 1)
    def _():
        cf = cnt_acc[...].astype(jnp.float32)
        row_i = lax.broadcasted_iota(jnp.int32, (B, B), 0)
        col_i = lax.broadcasted_iota(jnp.int32, (B, B), 1)
        tril = (col_i < row_i).astype(jnp.float32)
        starts = jnp.dot(tril, cf, preferred_element_type=jnp.float32)
        row0 = jnp.concatenate(
            [starts.reshape(1, B), cf.reshape(1, B),
             jnp.zeros((1, 128 - 2 * B), jnp.float32)], axis=1)
        meta_ref[...] = jnp.concatenate(
            [row0, jnp.zeros((7, 128), jnp.float32)], axis=0)


_mlp_call = pl.pallas_call(
    _mlp_body,
    grid=(NBLK,),
    in_specs=[
        pl.BlockSpec((BLK, D), lambda i: (i, 0)),
        pl.BlockSpec((D, D), lambda i: (0, 0)),
        pl.BlockSpec((1, D), lambda i: (0, 0)),
        pl.BlockSpec((D, D), lambda i: (0, 0)),
        pl.BlockSpec((1, D), lambda i: (0, 0)),
        pl.BlockSpec((D, D), lambda i: (0, 0)),
        pl.BlockSpec((1, D), lambda i: (0, 0)),
        pl.BlockSpec((D, 1), lambda i: (0, 0)),
        pl.BlockSpec((1, 1), lambda i: (0, 0)),
        pl.BlockSpec((1, 1, BLK), lambda i: (i, 0, 0)),
    ],
    out_specs=[
        pl.BlockSpec((BLK // 128, 128), lambda i: (i, 0)),
        pl.BlockSpec((8, 128), lambda i: (0, 0)),
    ],
    out_shape=[
        jax.ShapeDtypeStruct((LPAD // 128, 128), jnp.float32),
        jax.ShapeDtypeStruct((8, 128), jnp.float32),
    ],
    scratch_shapes=[pltpu.VMEM((B, 1), jnp.int32)],
)


def _sc_pad_body(logits_hbm, meta_hbm, out_hbm, meta_ref, buf_ref, row_ref):
    wid = lax.axis_index("s") * 2 + lax.axis_index("c")
    b = wid // 2
    off = (wid % 2) * WIN

    pltpu.sync_copy(meta_hbm.at[pl.ds(0, 32)], meta_ref)
    start = meta_ref[pl.ds(b, 1)][0].astype(jnp.int32)
    count = jnp.minimum(meta_ref[pl.ds(B + b, 1)][0].astype(jnp.int32), MAXLEN)
    iot = lax.iota(jnp.int32, 16)

    s0 = jnp.minimum(start + off, N)
    aligned = (s0 // ALIGN) * ALIGN
    rem = s0 - aligned
    pltpu.sync_copy(logits_hbm.at[pl.ds(aligned, BUF)], buf_ref)

    @pl.loop(0, WIN // 16, unroll=8)
    def _(j):
        v = buf_ref[pl.ds(rem + j * 16, 16)]
        p = off + j * 16 + iot
        row_ref[pl.ds(j * 16, 16)] = jnp.where(p < count, v, -jnp.inf)
    pltpu.sync_copy(row_ref, out_hbm.at[b, pl.ds(off, WIN)])


@functools.cache
def _sc_pad_call():
    return pl.kernel(
        _sc_pad_body,
        mesh=plsc.VectorSubcoreMesh(core_axis_name="c", subcore_axis_name="s"),
        out_type=jax.ShapeDtypeStruct((B, MAXLEN), jnp.float32),
        scratch_types=[
            pltpu.VMEM((32,), jnp.float32),
            pltpu.VMEM((BUF,), jnp.float32),
            pltpu.VMEM((WIN,), jnp.float32),
        ],
    )


def kernel(x, W1, b1, W2, b2, W3, b3, Wout, bout, segment_ids):
    seg3d = segment_ids.reshape(NBLK, 1, BLK)
    logits2d, meta2d = _mlp_call(
        x, W1, b1.reshape(1, D), W2, b2.reshape(1, D), W3, b3.reshape(1, D),
        Wout, bout.reshape(1, 1), seg3d)
    return _sc_pad_call()(logits2d.reshape(LPAD), meta2d.reshape(1024))

# --- scband reference (transcript-rebuilt; emitter-appended) ---
"""Pipeline reference for scband-vrpaction-net-29231547417133 (READ-ONLY COPY).

The authoritative reference and input builder live on the scoring server;
editing this copy changes nothing except your own understanding.
"""

import jax, jax.numpy as jnp
import numpy as np

B = 16
MAXLEN = 4096
N = 32768
D = 256


def setup_inputs(seed: int = 0) -> dict:
    key = jax.random.key(seed)
    ks = jax.random.split(key, 12)
    x = jax.random.normal(ks[0], (N, D), dtype=jnp.float32)
    segment_ids = jnp.sort(jax.random.randint(ks[1], (N,), 0, B)).astype(jnp.int32)
    s = 1.0 / np.sqrt(D)
    W1 = jax.random.normal(ks[2], (D, D), dtype=jnp.float32) * s
    b1 = jnp.zeros((D,), dtype=jnp.float32)
    W2 = jax.random.normal(ks[3], (D, D), dtype=jnp.float32) * s
    b2 = jnp.zeros((D,), dtype=jnp.float32)
    W3 = jax.random.normal(ks[4], (D, D), dtype=jnp.float32) * s
    b3 = jnp.zeros((D,), dtype=jnp.float32)
    Wout = jax.random.normal(ks[5], (D, 1), dtype=jnp.float32) * s
    bout = jnp.zeros((1,), dtype=jnp.float32)
    return {"x": x, "W1": W1, "b1": b1, "W2": W2, "b2": b2, "W3": W3, "b3": b3, "Wout": Wout, "bout": bout, "segment_ids": segment_ids}


def reference(x, W1, b1, W2, b2, W3, b3, Wout, bout, segment_ids):
    # action_net MLP (3 hidden layers + scalar output head), applied to the
    # flat ragged concatenation of per-state move embeddings (all_moves_cat).
    h = jax.nn.relu(x @ W1 + b1)
    h = jax.nn.relu(h @ W2 + b2)
    h = jax.nn.relu(h @ W3 + b3)
    logits = (h @ Wout + bout)[:, 0]
    # torch.split(all_moves_logits, num_moves) + pad_sequence(padding=-inf)
    counts = jnp.bincount(segment_ids, length=B)
    starts = jnp.concatenate([jnp.zeros((1,), dtype=jnp.int32), jnp.cumsum(counts)[:-1].astype(jnp.int32)])
    pos = jnp.arange(N, dtype=jnp.int32) - starts[segment_ids]
    padded = jnp.full((B, MAXLEN), -jnp.inf, dtype=jnp.float32)
    padded = padded.at[segment_ids, pos].set(logits)
    return padded

if __name__ == "__main__":
    import jax
    _d = setup_inputs()
    print(jax.jit(kernel)(*tuple(_d.values())))

</pallas_src>

<mosaic_0001>
#map = affine_map<(d0, d1) -> (0)>
#map1 = affine_map<(d0, d1) -> (0, 0)>
module attributes {stable_mosaic.version = 14 : i64} {
  func.func @_sc_pad_body(%arg0: i32, %arg1: i32, %arg2: memref<40960xf32, #tpu.memory_space<hbm>>, %arg3: memref<1024xf32, #tpu.memory_space<hbm>>, %arg4: memref<16x4096xf32, #tpu.memory_space<hbm>>, %arg5: memref<32xf32, #tpu.memory_space<vmem>>, %arg6: memref<2064xf32, #tpu.memory_space<vmem>>, %arg7: memref<2048xf32, #tpu.memory_space<vmem>>) attributes {dimension_semantics = [#tpu.dimension_semantics<core_parallel>, #tpu.dimension_semantics<subcore_parallel>], iteration_bounds = array<i64: 2, 16>, scalar_prefetch = 0 : i64, scratch_operands = 3 : i64, tpu.core_type = #tpu.core_type<sc_vector_subcore>, window_params = [{transform_indices = #map}, {transform_indices = #map}, {transform_indices = #map1}]} {
    %mul3A = arith.constant 2 : i32
    %mul3A_0 = arith.muli %arg1, %mul3A : i32
    %add3A = arith.addi %mul3A_0, %arg0 : i32
    %jit3A = arith.constant 2 : i32
    %div3A = arith.divsi %add3A, %jit3A : i32
    %sign3A = arith.constant 0 : i32
    %sign3A_1 = arith.cmpi sgt, %add3A, %sign3A : i32
    %sign3A_2 = arith.extui %sign3A_1 : i1 to i32
    %sign3A_3 = arith.constant 0 : i32
    %sign3A_4 = arith.cmpi slt, %add3A, %sign3A_3 : i32
    %sign3A_5 = arith.extui %sign3A_4 : i1 to i32
    %sign3A_6 = arith.subi %sign3A_2, %sign3A_5 : i32
    %sign3A_7 = arith.constant 0 : i32
    %sign3A_8 = arith.cmpi sgt, %jit3A, %sign3A_7 : i32
    %sign3A_9 = arith.extui %sign3A_8 : i1 to i32
    %sign3A_10 = arith.constant 0 : i32
    %sign3A_11 = arith.cmpi slt, %jit3A, %sign3A_10 : i32
    %sign3A_12 = arith.extui %sign3A_11 : i1 to i32
    %sign3A_13 = arith.subi %sign3A_9, %sign3A_12 : i32
    %ne3A = arith.cmpi ne, %sign3A_6, %sign3A_13 : i32
    %rem3A = arith.remsi %add3A, %jit3A : i32
    %ne3A_14 = arith.constant 0 : i32
    %ne3A_15 = arith.cmpi ne, %rem3A, %ne3A_14 : i32
    %and3A = arith.andi %ne3A, %ne3A_15 : i1
    %sub3A = arith.constant 1 : i32
    %sub3A_16 = arith.subi %div3A, %sub3A : i32
    %select_n3A = arith.select %and3A, %sub3A_16, %div3A : i32
    %jit3A_17 = arith.constant 2 : i32
    %eq3A = arith.constant 0 : i32
    %eq3A_18 = arith.cmpi eq, %jit3A_17, %eq3A : i32
    %jit3A_19 = arith.constant 1 : i32
    %select_n3A_20 = arith.select %eq3A_18, %jit3A_19, %jit3A_17 : i32
    %rem3A_21 = arith.remsi %add3A, %select_n3A_20 : i32
    %ne3A_22 = arith.constant 0 : i32
    %ne3A_23 = arith.cmpi ne, %rem3A_21, %ne3A_22 : i32
    %lt3A = arith.constant 0 : i32
    %lt3A_24 = arith.cmpi slt, %rem3A_21, %lt3A : i32
    %lt3A_25 = arith.constant 0 : i32
    %lt3A_26 = arith.cmpi slt, %select_n3A_20, %lt3A_25 : i32
    %ne3A_27 = arith.xori %lt3A_24, %lt3A_26 : i1
    %and3A_28 = arith.andi %ne3A_27, %ne3A_23 : i1
    %add3A_29 = arith.addi %rem3A_21, %select_n3A_20 : i32
    %select_n3A_30 = arith.select %and3A_28, %add3A_29, %rem3A_21 : i32
    %mul3A_31 = arith.constant 2048 : i32
    %mul3A_32 = arith.muli %select_n3A_30, %mul3A_31 : i32
    "tpu.region"() ({
      %run_scoped3A = tpu.sem_alloc : memref<!tpu.dma_semaphore, #tpu.memory_space<semaphore_mem>>
      %dma_start3A = arith.constant 0 : i32
      %dma_start3A_77 = tpu.memref_slice %arg3[%dma_start3A] : memref<1024xf32, #tpu.memory_space<hbm>> -> memref<32xf32, #tpu.memory_space<hbm>>
      %dma_start3A_78 = arith.constant 0 : i32
      %dma_start3A_79 = tpu.memref_slice %arg3[%dma_start3A_78] : memref<1024xf32, #tpu.memory_space<hbm>> -> memref<32xf32, #tpu.memory_space<hbm>>
      tpu.enqueue_dma source(%dma_start3A_79 : memref<32xf32, #tpu.memory_space<hbm>>) target(%arg5 : memref<32xf32, #tpu.memory_space<vmem>>) target_semaphore(%run_scoped3A : memref<!tpu.dma_semaphore, #tpu.memory_space<semaphore_mem>>)
      %dma_wait3A = arith.constant 0 : i32
      %dma_wait3A_80 = tpu.memref_slice %arg3[%dma_wait3A] : memref<1024xf32, #tpu.memory_space<hbm>> -> memref<32xf32, #tpu.memory_space<hbm>>
      %dma_wait3A_81 = arith.constant 0 : i32
      %dma_wait3A_82 = tpu.memref_slice %arg3[%dma_wait3A_81] : memref<1024xf32, #tpu.memory_space<hbm>> -> memref<32xf32, #tpu.memory_space<hbm>>
      tpu.wait_dma2 semaphore(%run_scoped3A : memref<!tpu.dma_semaphore, #tpu.memory_space<semaphore_mem>>) src(%dma_wait3A_82 : memref<32xf32, #tpu.memory_space<hbm>>) dst(%arg5 : memref<32xf32, #tpu.memory_space<vmem>>)
      tpu.yield
    }) : () -> ()
    %get3A = arith.index_cast %select_n3A : i32 to index
    %get3A_33 = tpu.vector_load %arg5[%get3A] {strides = array<i32>} : memref<32xf32, #tpu.memory_space<vmem>>, vector<1xf32>,
    %get3A_34 = vector.shape_cast %get3A_33 : vector<1xf32> to vector<1xf32>
    %squeeze3A = vector.extract %get3A_34[0] : f32 from vector<1xf32>
    %convert_element_type3A = arith.fptosi %squeeze3A : f32 to i32
    %add3A_35 = arith.constant 16 : i32
    %add3A_36 = arith.addi %add3A_35, %select_n3A : i32
    %get3A_37 = arith.index_cast %add3A_36 : i32 to index
    %get3A_38 = tpu.vector_load %arg5[%get3A_37] {strides = array<i32>} : memref<32xf32, #tpu.memory_space<vmem>>, vector<1xf32>,
    %get3A_39 = vector.shape_cast %get3A_38 : vector<1xf32> to vector<1xf32>
    %squeeze3A_40 = vector.extract %get3A_39[0] : f32 from vector<1xf32>
    %convert_element_type3A_41 = arith.fptosi %squeeze3A_40 : f32 to i32
    %min3A = arith.constant 4096 : i32
    %min3A_42 = arith.minsi %convert_element_type3A_41, %min3A : i32
    %iota3A = tpu.iota {dimensions = array<i32: 0>} : vector<16xi32>
    %add3A_43 = arith.addi %convert_element_type3A, %mul3A_32 : i32
    %min3A_44 = arith.constant 32768 : i32
    %min3A_45 = arith.minsi %add3A_43, %min3A_44 : i32
    %jit3A_46 = arith.constant 16 : i32
    %div3A_47 = arith.divsi %min3A_45, %jit3A_46 : i32
    %sign3A_48 = arith.constant 0 : i32
    %sign3A_49 = arith.cmpi sgt, %min3A_45, %sign3A_48 : i32
    %sign3A_50 = arith.extui %sign3A_49 : i1 to i32
    %sign3A_51 = arith.constant 0 : i32
    %sign3A_52 = arith.cmpi slt, %min3A_45, %sign3A_51 : i32
    %sign3A_53 = arith.extui %sign3A_52 : i1 to i32
    %sign3A_54 = arith.subi %sign3A_50, %sign3A_53 : i32
    %sign3A_55 = arith.constant 0 : i32
    %sign3A_56 = arith.cmpi sgt, %jit3A_46, %sign3A_55 : i32
    %sign3A_57 = arith.extui %sign3A_56 : i1 to i32
    %sign3A_58 = arith.constant 0 : i32
    %sign3A_59 = arith.cmpi slt, %jit3A_46, %sign3A_58 : i32
    %sign3A_60 = arith.extui %sign3A_59 : i1 to i32
    %sign3A_61 = arith.subi %sign3A_57, %sign3A_60 : i32
    %ne3A_62 = arith.cmpi ne, %sign3A_54, %sign3A_61 : i32
    %rem3A_63 = arith.remsi %min3A_45, %jit3A_46 : i32
    %ne3A_64 = arith.constant 0 : i32
    %ne3A_65 = arith.cmpi ne, %rem3A_63, %ne3A_64 : i32
    %and3A_66 = arith.andi %ne3A_62, %ne3A_65 : i1
    %sub3A_67 = arith.constant 1 : i32
    %sub3A_68 = arith.subi %div3A_47, %sub3A_67 : i32
    %select_n3A_69 = arith.select %and3A_66, %sub3A_68, %div3A_47 : i32
    %mul3A_70 = arith.constant 16 : i32
    %mul3A_71 = arith.muli %select_n3A_69, %mul3A_70 : i32
    %sub3A_72 = arith.subi %min3A_45, %mul3A_71 : i32
    "tpu.region"() ({
      %run_scoped3A = tpu.sem_alloc : memref<!tpu.dma_semaphore, #tpu.memory_space<semaphore_mem>>
      %dma_start3A = tpu.memref_slice %arg2[%mul3A_71] : memref<40960xf32, #tpu.memory_space<hbm>> -> memref<2064xf32, #tpu.memory_space<hbm>>
      %dma_start3A_77 = tpu.memref_slice %arg2[%mul3A_71] : memref<40960xf32, #tpu.memory_space<hbm>> -> memref<2064xf32, #tpu.memory_space<hbm>>
      tpu.enqueue_dma source(%dma_start3A_77 : memref<2064xf32, #tpu.memory_space<hbm>>) target(%arg6 : memref<2064xf32, #tpu.memory_space<vmem>>) target_semaphore(%run_scoped3A : memref<!tpu.dma_semaphore, #tpu.memory_space<semaphore_mem>>)
      %dma_wait3A = tpu.memref_slice %arg2[%mul3A_71] : memref<40960xf32, #tpu.memory_space<hbm>> -> memref<2064xf32, #tpu.memory_space<hbm>>
      %dma_wait3A_78 = tpu.memref_slice %arg2[%mul3A_71] : memref<40960xf32, #tpu.memory_space<hbm>> -> memref<2064xf32, #tpu.memory_space<hbm>>
      tpu.wait_dma2 semaphore(%run_scoped3A : memref<!tpu.dma_semaphore, #tpu.memory_space<semaphore_mem>>) src(%dma_wait3A_78 : memref<2064xf32, #tpu.memory_space<hbm>>) dst(%arg6 : memref<2064xf32, #tpu.memory_space<vmem>>)
      tpu.yield
    }) : () -> ()
    %scan3A = arith.constant 0 : i32
    %scan3A_73 = arith.constant 128 : i32
    %scan3A_74 = arith.addi %scan3A, %scan3A_73 : i32
    %scan3A_75 = arith.constant 8 : i32
    scf.for %scan3A_77 = %scan3A to %scan3A_74 step %scan3A_75  : i32 {
      %mul3A_78 = arith.constant 1 : i32
      %mul3A_79 = arith.muli %scan3A_77, %mul3A_78 : i32
      %add3A_80 = arith.constant 0 : i32
      %add3A_81 = arith.addi %add3A_80, %mul3A_79 : i32
      %mul3A_82 = arith.constant 16 : i32
      %mul3A_83 = arith.muli %add3A_81, %mul3A_82 : i32
      %add3A_84 = arith.addi %sub3A_72, %mul3A_83 : i32
      %get3A_85 = arith.index_cast %add3A_84 : i32 to index
      %get3A_86 = tpu.vector_load %arg6[%get3A_85] {strides = array<i32>} : memref<2064xf32, #tpu.memory_space<vmem>>, vector<16xf32>,
      %get3A_87 = vector.shape_cast %get3A_86 : vector<16xf32> to vector<16xf32>
      %mul3A_88 = arith.constant 16 : i32
      %mul3A_89 = arith.muli %add3A_81, %mul3A_88 : i32
      %add3A_90 = arith.addi %mul3A_32, %mul3A_89 : i32
      %add3A_91 = vector.broadcast %add3A_90 : i32 to vector<16xi32>
      %add3A_92 = arith.addi %add3A_91, %iota3A : vector<16xi32>
      %lt3A_93 = vector.broadcast %min3A_42 : i32 to vector<16xi32>
      %lt3A_94 = arith.cmpi slt, %add3A_92, %lt3A_93 : vector<16xi32>
      %jit3A_95 = arith.constant 0xFF800000 : f32
      %broadcast_in_dim3A = vector.broadcast %jit3A_95 : f32 to vector<16xf32>
      %select_n3A_96 = arith.select %lt3A_94, %get3A_87, %broadcast_in_dim3A : vector<16xi1>, vector<16xf32>
      %mul3A_97 = arith.constant 16 : i32
      %mul3A_98 = arith.muli %add3A_81, %mul3A_97 : i32
      %swap3A = arith.index_cast %mul3A_98 : i32 to index
      %swap3A_99 = tpu.vector_load %arg7[%swap3A] {strides = array<i32>} : memref<2048xf32, #tpu.memory_space<vmem>>, vector<16xf32>,
      %swap3A_100 = vector.shape_cast %swap3A_99 : vector<16xf32> to vector<16xf32>
      %swap3A_101 = vector.shape_cast %select_n3A_96 : vector<16xf32> to vector<16xf32>
      tpu.vector_store %arg7[%swap3A], %swap3A_101 {strides = array<i32>} : memref<2048xf32, #tpu.memory_space<vmem>>, vector<16xf32>,
      %scan3A_102 = arith.constant 1 : i32
      %scan3A_103 = arith.addi %scan3A_77, %scan3A_102 : i32
      %mul3A_104 = arith.constant 1 : i32
      %mul3A_105 = arith.muli %scan3A_103, %mul3A_104 : i32
      %add3A_106 = arith.constant 0 : i32
      %add3A_107 = arith.addi %add3A_106, %mul3A_105 : i32
      %mul3A_108 = arith.constant 16 : i32
      %mul3A_109 = arith.muli %add3A_107, %mul3A_108 : i32
      %add3A_110 = arith.addi %sub3A_72, %mul3A_109 : i32
      %get3A_111 = arith.index_cast %add3A_110 : i32 to index
      %get3A_112 = tpu.vector_load %arg6[%get3A_111] {strides = array<i32>} : memref<2064xf32, #tpu.memory_space<vmem>>, vector<16xf32>,
      %get3A_113 = vector.shape_cast %get3A_112 : vector<16xf32> to vector<16xf32>
      %mul3A_114 = arith.constant 16 : i32
      %mul3A_115 = arith.muli %add3A_107, %mul3A_114 : i32
      %add3A_116 = arith.addi %mul3A_32, %mul3A_115 : i32
      %add3A_117 = vector.broadcast %add3A_116 : i32 to vector<16xi32>
      %add3A_118 = arith.addi %add3A_117, %iota3A : vector<16xi32>
      %lt3A_119 = vector.broadcast %min3A_42 : i32 to vector<16xi32>
      %lt3A_120 = arith.cmpi slt, %add3A_118, %lt3A_119 : vector<16xi32>
      %jit3A_121 = arith.constant 0xFF800000 : f32
      %broadcast_in_dim3A_122 = vector.broadcast %jit3A_121 : f32 to vector<16xf32>
      %select_n3A_123 = arith.select %lt3A_120, %get3A_113, %broadcast_in_dim3A_122 : vector<16xi1>, vector<16xf32>
      %mul3A_124 = arith.constant 16 : i32
      %mul3A_125 = arith.muli %add3A_107, %mul3A_124 : i32
      %swap3A_126 = arith.index_cast %mul3A_125 : i32 to index
      %swap3A_127 = tpu.vector_load %arg7[%swap3A_126] {strides = array<i32>} : memref<2048xf32, #tpu.memory_space<vmem>>, vector<16xf32>,
      %swap3A_128 = vector.shape_cast %swap3A_127 : vector<16xf32> to vector<16xf32>
      %swap3A_129 = vector.shape_cast %select_n3A_123 : vector<16xf32> to vector<16xf32>
      tpu.vector_store %arg7[%swap3A_126], %swap3A_129 {strides = array<i32>} : memref<2048xf32, #tpu.memory_space<vmem>>, vector<16xf32>,
      %scan3A_130 = arith.constant 2 : i32
      %scan3A_131 = arith.addi %scan3A_77, %scan3A_130 : i32
      %mul3A_132 = arith.constant 1 : i32
      %mul3A_133 = arith.muli %scan3A_131, %mul3A_132 : i32
      %add3A_134 = arith.constant 0 : i32
      %add3A_135 = arith.addi %add3A_134, %mul3A_133 : i32
      %mul3A_136 = arith.constant 16 : i32
      %mul3A_137 = arith.muli %add3A_135, %mul3A_136 : i32
      %add3A_138 = arith.addi %sub3A_72, %mul3A_137 : i32
      %get3A_139 = arith.index_cast %add3A_138 : i32 to index
      %get3A_140 = tpu.vector_load %arg6[%get3A_139] {strides = array<i32>} : memref<2064xf32, #tpu.memory_space<vmem>>, vector<16xf32>,
      %get3A_141 = vector.shape_cast %get3A_140 : vector<16xf32> to vector<16xf32>
      %mul3A_142 = arith.constant 16 : i32
      %mul3A_143 = arith.muli %add3A_135, %mul3A_142 : i32
      %add3A_144 = arith.addi %mul3A_32, %mul3A_143 : i32
      %add3A_145 = vector.broadcast %add3A_144 : i32 to vector<16xi32>
      %add3A_146 = arith.addi %add3A_145, %iota3A : vector<16xi32>
      %lt3A_147 = vector.broadcast %min3A_42 : i32 to vector<16xi32>
      %lt3A_148 = arith.cmpi slt, %add3A_146, %lt3A_147 : vector<16xi32>
      %jit3A_149 = arith.constant 0xFF800000 : f32
      %broadcast_in_dim3A_150 = vector.broadcast %jit3A_149 : f32 to vector<16xf32>
      %select_n3A_151 = arith.select %lt3A_148, %get3A_141, %broadcast_in_dim3A_150 : vector<16xi1>, vector<16xf32>
      %mul3A_152 = arith.constant 16 : i32
      %mul3A_153 = arith.muli %add3A_135, %mul3A_152 : i32
      %swap3A_154 = arith.index_cast %mul3A_153 : i32 to index
      %swap3A_155 = tpu.vector_load %arg7[%swap3A_154] {strides = array<i32>} : memref<2048xf32, #tpu.memory_space<vmem>>, vector<16xf32>,
      %swap3A_156 = vector.shape_cast %swap3A_155 : vector<16xf32> to vector<16xf32>
      %swap3A_157 = vector.shape_cast %select_n3A_151 : vector<16xf32> to vector<16xf32>
      tpu.vector_store %arg7[%swap3A_154], %swap3A_157 {strides = array<i32>} : memref<2048xf32, #tpu.memory_space<vmem>>, vector<16xf32>,
      %scan3A_158 = arith.constant 3 : i32
      %scan3A_159 = arith.addi %scan3A_77, %scan3A_158 : i32
      %mul3A_160 = arith.constant 1 : i32
      %mul3A_161 = arith.muli %scan3A_159, %mul3A_160 : i32
      %add3A_162 = arith.constant 0 : i32
      %add3A_163 = arith.addi %add3A_162, %mul3A_161 : i32
      %mul3A_164 = arith.constant 16 : i32
      %mul3A_165 = arith.muli %add3A_163, %mul3A_164 : i32
      %add3A_166 = arith.addi %sub3A_72, %mul3A_165 : i32
      %get3A_167 = arith.index_cast %add3A_166 : i32 to index
      %get3A_168 = tpu.vector_load %arg6[%get3A_167] {strides = array<i32>} : memref<2064xf32, #tpu.memory_space<vmem>>, vector<16xf32>,
      %get3A_169 = vector.shape_cast %get3A_168 : vector<16xf32> to vector<16xf32>
      %mul3A_170 = arith.constant 16 : i32
      %mul3A_171 = arith.muli %add3A_163, %mul3A_170 : i32
      %add3A_172 = arith.addi %mul3A_32, %mul3A_171 : i32
      %add3A_173 = vector.broadcast %add3A_172 : i32 to vector<16xi32>
      %add3A_174 = arith.addi %add3A_173, %iota3A : vector<16xi32>
      %lt3A_175 = vector.broadcast %min3A_42 : i32 to vector<16xi32>
      %lt3A_176 = arith.cmpi slt, %add3A_174, %lt3A_175 : vector<16xi32>
      %jit3A_177 = arith.constant 0xFF800000 : f32
      %broadcast_in_dim3A_178 = vector.broadcast %jit3A_177 : f32 to vector<16xf32>
      %select_n3A_179 = arith.select %lt3A_176, %get3A_169, %broadcast_in_dim3A_178 : vector<16xi1>, vector<16xf32>
      %mul3A_180 = arith.constant 16 : i32
      %mul3A_181 = arith.muli %add3A_163, %mul3A_180 : i32
      %swap3A_182 = arith.index_cast %mul3A_181 : i32 to index
      %swap3A_183 = tpu.vector_load %arg7[%swap3A_182] {strides = array<i32>} : memref<2048xf32, #tpu.memory_space<vmem>>, vector<16xf32>,
      %swap3A_184 = vector.shape_cast %swap3A_183 : vector<16xf32> to vector<16xf32>
      %swap3A_185 = vector.shape_cast %select_n3A_179 : vector<16xf32> to vector<16xf32>
      tpu.vector_store %arg7[%swap3A_182], %swap3A_185 {strides = array<i32>} : memref<2048xf32, #tpu.memory_space<vmem>>, vector<16xf32>,
      %scan3A_186 = arith.constant 4 : i32
      %scan3A_187 = arith.addi %scan3A_77, %scan3A_186 : i32
      %mul3A_188 = arith.constant 1 : i32
      %mul3A_189 = arith.muli %scan3A_187, %mul3A_188 : i32
      %add3A_190 = arith.constant 0 : i32
      %add3A_191 = arith.addi %add3A_190, %mul3A_189 : i32
      %mul3A_192 = arith.constant 16 : i32
      %mul3A_193 = arith.muli %add3A_191, %mul3A_192 : i32
      %add3A_194 = arith.addi %sub3A_72, %mul3A_193 : i32
      %get3A_195 = arith.index_cast %add3A_194 : i32 to index
      %get3A_196 = tpu.vector_load %arg6[%get3A_195] {strides = array<i32>} : memref<2064xf32, #tpu.memory_space<vmem>>, vector<16xf32>,
      %get3A_197 = vector.shape_cast %get3A_196 : vector<16xf32> to vector<16xf32>
      %mul3A_198 = arith.constant 16 : i32
      %mul3A_199 = arith.muli %add3A_191, %mul3A_198 : i32
      %add3A_200 = arith.addi %mul3A_32, %mul3A_199 : i32
      %add3A_201 = vector.broadcast %add3A_200 : i32 to vector<16xi32>
      %add3A_202 = arith.addi %add3A_201, %iota3A : vector<16xi32>
      %lt3A_203 = vector.broadcast %min3A_42 : i32 to vector<16xi32>
      %lt3A_204 = arith.cmpi slt, %add3A_202, %lt3A_203 : vector<16xi32>
      %jit3A_205 = arith.constant 0xFF800000 : f32
      %broadcast_in_dim3A_206 = vector.broadcast %jit3A_205 : f32 to vector<16xf32>
      %select_n3A_207 = arith.select %lt3A_204, %get3A_197, %broadcast_in_dim3A_206 : vector<16xi1>, vector<16xf32>
      %mul3A_208 = arith.constant 16 : i32
      %mul3A_209 = arith.muli %add3A_191, %mul3A_208 : i32
      %swap3A_210 = arith.index_cast %mul3A_209 : i32 to index
      %swap3A_211 = tpu.vector_load %arg7[%swap3A_210] {strides = array<i32>} : memref<2048xf32, #tpu.memory_space<vmem>>, vector<16xf32>,
      %swap3A_212 = vector.shape_cast %swap3A_211 : vector<16xf32> to vector<16xf32>
      %swap3A_213 = vector.shape_cast %select_n3A_207 : vector<16xf32> to vector<16xf32>
      tpu.vector_store %arg7[%swap3A_210], %swap3A_213 {strides = array<i32>} : memref<2048xf32, #tpu.memory_space<vmem>>, vector<16xf32>,
      %scan3A_214 = arith.constant 5 : i32
      %scan3A_215 = arith.addi %scan3A_77, %scan3A_214 : i32
      %mul3A_216 = arith.constant 1 : i32
      %mul3A_217 = arith.muli %scan3A_215, %mul3A_216 : i32
      %add3A_218 = arith.constant 0 : i32
      %add3A_219 = arith.addi %add3A_218, %mul3A_217 : i32
      %mul3A_220 = arith.constant 16 : i32
      %mul3A_221 = arith.muli %add3A_219, %mul3A_220 : i32
      %add3A_222 = arith.addi %sub3A_72, %mul3A_221 : i32
      %get3A_223 = arith.index_cast %add3A_222 : i32 to index
      %get3A_224 = tpu.vector_load %arg6[%get3A_223] {strides = array<i32>} : memref<2064xf32, #tpu.memory_space<vmem>>, vector<16xf32>,
      %get3A_225 = vector.shape_cast %get3A_224 : vector<16xf32> to vector<16xf32>
      %mul3A_226 = arith.constant 16 : i32
      %mul3A_227 = arith.muli %add3A_219, %mul3A_226 : i32
      %add3A_228 = arith.addi %mul3A_32, %mul3A_227 : i32
      %add3A_229 = vector.broadcast %add3A_228 : i32 to vector<16xi32>
      %add3A_230 = arith.addi %add3A_229, %iota3A : vector<16xi32>
      %lt3A_231 = vector.broadcast %min3A_42 : i32 to vector<16xi32>
      %lt3A_232 = arith.cmpi slt, %add3A_230, %lt3A_231 : vector<16xi32>
      %jit3A_233 = arith.constant 0xFF800000 : f32
      %broadcast_in_dim3A_234 = vector.broadcast %jit3A_233 : f32 to vector<16xf32>
      %select_n3A_235 = arith.select %lt3A_232, %get3A_225, %broadcast_in_dim3A_234 : vector<16xi1>, vector<16xf32>
      %mul3A_236 = arith.constant 16 : i32
      %mul3A_237 = arith.muli %add3A_219, %mul3A_236 : i32
      %swap3A_238 = arith.index_cast %mul3A_237 : i32 to index
      %swap3A_239 = tpu.vector_load %arg7[%swap3A_238] {strides = array<i32>} : memref<2048xf32, #tpu.memory_space<vmem>>, vector<16xf32>,
      %swap3A_240 = vector.shape_cast %swap3A_239 : vector<16xf32> to vector<16xf32>
      %swap3A_241 = vector.shape_cast %select_n3A_235 : vector<16xf32> to vector<16xf32>
      tpu.vector_store %arg7[%swap3A_238], %swap3A_241 {strides = array<i32>} : memref<2048xf32, #tpu.memory_space<vmem>>, vector<16xf32>,
      %scan3A_242 = arith.constant 6 : i32
      %scan3A_243 = arith.addi %scan3A_77, %scan3A_242 : i32
      %mul3A_244 = arith.constant 1 : i32
      %mul3A_245 = arith.muli %scan3A_243, %mul3A_244 : i32
      %add3A_246 = arith.constant 0 : i32
      %add3A_247 = arith.addi %add3A_246, %mul3A_245 : i32
      %mul3A_248 = arith.constant 16 : i32
      %mul3A_249 = arith.muli %add3A_247, %mul3A_248 : i32
      %add3A_250 = arith.addi %sub3A_72, %mul3A_249 : i32
      %get3A_251 = arith.index_cast %add3A_250 : i32 to index
      %get3A_252 = tpu.vector_load %arg6[%get3A_251] {strides = array<i32>} : memref<2064xf32, #tpu.memory_space<vmem>>, vector<16xf32>,
      %get3A_253 = vector.shape_cast %get3A_252 : vector<16xf32> to vector<16xf32>
      %mul3A_254 = arith.constant 16 : i32
      %mul3A_255 = arith.muli %add3A_247, %mul3A_254 : i32
      %add3A_256 = arith.addi %mul3A_32, %mul3A_255 : i32
      %add3A_257 = vector.broadcast %add3A_256 : i32 to vector<16xi32>
      %add3A_258 = arith.addi %add3A_257, %iota3A : vector<16xi32>
      %lt3A_259 = vector.broadcast %min3A_42 : i32 to vector<16xi32>
      %lt3A_260 = arith.cmpi slt, %add3A_258, %lt3A_259 : vector<16xi32>
      %jit3A_261 = arith.constant 0xFF800000 : f32
      %broadcast_in_dim3A_262 = vector.broadcast %jit3A_261 : f32 to vector<16xf32>
      %select_n3A_263 = arith.select %lt3A_260, %get3A_253, %broadcast_in_dim3A_262 : vector<16xi1>, vector<16xf32>
      %mul3A_264 = arith.constant 16 : i32
      %mul3A_265 = arith.muli %add3A_247, %mul3A_264 : i32
      %swap3A_266 = arith.index_cast %mul3A_265 : i32 to index
      %swap3A_267 = tpu.vector_load %arg7[%swap3A_266] {strides = array<i32>} : memref<2048xf32, #tpu.memory_space<vmem>>, vector<16xf32>,
      %swap3A_268 = vector.shape_cast %swap3A_267 : vector<16xf32> to vector<16xf32>
      %swap3A_269 = vector.shape_cast %select_n3A_263 : vector<16xf32> to vector<16xf32>
      tpu.vector_store %arg7[%swap3A_266], %swap3A_269 {strides = array<i32>} : memref<2048xf32, #tpu.memory_space<vmem>>, vector<16xf32>,
      %scan3A_270 = arith.constant 7 : i32
      %scan3A_271 = arith.addi %scan3A_77, %scan3A_270 : i32
      %mul3A_272 = arith.constant 1 : i32
      %mul3A_273 = arith.muli %scan3A_271, %mul3A_272 : i32
      %add3A_274 = arith.constant 0 : i32
      %add3A_275 = arith.addi %add3A_274, %mul3A_273 : i32
      %mul3A_276 = arith.constant 16 : i32
      %mul3A_277 = arith.muli %add3A_275, %mul3A_276 : i32
      %add3A_278 = arith.addi %sub3A_72, %mul3A_277 : i32
      %get3A_279 = arith.index_cast %add3A_278 : i32 to index
      %get3A_280 = tpu.vector_load %arg6[%get3A_279] {strides = array<i32>} : memref<2064xf32, #tpu.memory_space<vmem>>, vector<16xf32>,
      %get3A_281 = vector.shape_cast %get3A_280 : vector<16xf32> to vector<16xf32>
      %mul3A_282 = arith.constant 16 : i32
      %mul3A_283 = arith.muli %add3A_275, %mul3A_282 : i32
      %add3A_284 = arith.addi %mul3A_32, %mul3A_283 : i32
      %add3A_285 = vector.broadcast %add3A_284 : i32 to vector<16xi32>
      %add3A_286 = arith.addi %add3A_285, %iota3A : vector<16xi32>
      %lt3A_287 = vector.broadcast %min3A_42 : i32 to vector<16xi32>
      %lt3A_288 = arith.cmpi slt, %add3A_286, %lt3A_287 : vector<16xi32>
      %jit3A_289 = arith.constant 0xFF800000 : f32
      %broadcast_in_dim3A_290 = vector.broadcast %jit3A_289 : f32 to vector<16xf32>
      %select_n3A_291 = arith.select %lt3A_288, %get3A_281, %broadcast_in_dim3A_290 : vector<16xi1>, vector<16xf32>
      %mul3A_292 = arith.constant 16 : i32
      %mul3A_293 = arith.muli %add3A_275, %mul3A_292 : i32
      %swap3A_294 = arith.index_cast %mul3A_293 : i32 to index
      %swap3A_295 = tpu.vector_load %arg7[%swap3A_294] {strides = array<i32>} : memref<2048xf32, #tpu.memory_space<vmem>>, vector<16xf32>,
      %swap3A_296 = vector.shape_cast %swap3A_295 : vector<16xf32> to vector<16xf32>
      %swap3A_297 = vector.shape_cast %select_n3A_291 : vector<16xf32> to vector<16xf32>
      tpu.vector_store %arg7[%swap3A_294], %swap3A_297 {strides = array<i32>} : memref<2048xf32, #tpu.memory_space<vmem>>, vector<16xf32>,
    }
    %scan3A_76 = arith.constant 128 : i32
    "tpu.region"() ({
      %run_scoped3A = tpu.sem_alloc : memref<!tpu.dma_semaphore, #tpu.memory_space<semaphore_mem>>
      %dma_start3A = tpu.memref_slice %arg4[%select_n3A, %mul3A_32] : memref<16x4096xf32, #tpu.memory_space<hbm>> -> memref<1x2048xf32, #tpu.memory_space<hbm>>
      %dma_start3A_77 = tpu.memref_squeeze %dma_start3A : memref<1x2048xf32, #tpu.memory_space<hbm>> -> memref<2048xf32, #tpu.memory_space<hbm>>
      %dma_start3A_78 = tpu.memref_slice %arg4[%select_n3A, %mul3A_32] : memref<16x4096xf32, #tpu.memory_space<hbm>> -> memref<1x2048xf32, #tpu.memory_space<hbm>>
      %dma_start3A_79 = tpu.memref_squeeze %dma_start3A_78 : memref<1x2048xf32, #tpu.memory_space<hbm>> -> memref<2048xf32, #tpu.memory_space<hbm>>
      tpu.enqueue_dma source(%arg7 : memref<2048xf32, #tpu.memory_space<vmem>>) target(%dma_start3A_79 : memref<2048xf32, #tpu.memory_space<hbm>>) target_semaphore(%run_scoped3A : memref<!tpu.dma_semaphore, #tpu.memory_space<semaphore_mem>>)
      %dma_wait3A = tpu.memref_slice %arg4[%select_n3A, %mul3A_32] : memref<16x4096xf32, #tpu.memory_space<hbm>> -> memref<1x2048xf32, #tpu.memory_space<hbm>>
      %dma_wait3A_80 = tpu.memref_squeeze %dma_wait3A : memref<1x2048xf32, #tpu.memory_space<hbm>> -> memref<2048xf32, #tpu.memory_space<hbm>>
      %dma_wait3A_81 = tpu.memref_slice %arg4[%select_n3A, %mul3A_32] : memref<16x4096xf32, #tpu.memory_space<hbm>> -> memref<1x2048xf32, #tpu.memory_space<hbm>>
      %dma_wait3A_82 = tpu.memref_squeeze %dma_wait3A_81 : memref<1x2048xf32, #tpu.memory_space<hbm>> -> memref<2048xf32, #tpu.memory_space<hbm>>
      tpu.wait_dma2 semaphore(%run_scoped3A : memref<!tpu.dma_semaphore, #tpu.memory_space<semaphore_mem>>) src(%arg7 : memref<2048xf32, #tpu.memory_space<vmem>>) dst(%dma_wait3A_82 : memref<2048xf32, #tpu.memory_space<hbm>>)
      tpu.yield
    }) : () -> ()
    return
  }
}

module attributes {stable_mosaic.version = 14 : i64} {
  func.func @_mlp_body(%arg0: i32, %arg1: memref<4096x256xf32, #tpu.memory_space<vmem>>, %arg2: memref<256x256xf32, #tpu.memory_space<vmem>>, %arg3: memref<1x256xf32, #tpu.memory_space<vmem>>, %arg4: memref<256x256xf32, #tpu.memory_space<vmem>>, %arg5: memref<1x256xf32, #tpu.memory_space<vmem>>, %arg6: memref<256x256xf32, #tpu.memory_space<vmem>>, %arg7: memref<1x256xf32, #tpu.memory_space<vmem>>, %arg8: memref<256x1xf32, #tpu.memory_space<vmem>>, %arg9: memref<1x1xf32, #tpu.memory_space<vmem>>, %arg10: memref<1x1x4096xi32, #tpu.memory_space<vmem>>, %arg11: memref<32x128xf32, #tpu.memory_space<vmem>>, %arg12: memref<8x128xf32, #tpu.memory_space<vmem>>, %arg13: memref<16x1xi32, #tpu.memory_space<vmem>>) attributes {dimension_semantics = [#tpu.dimension_semantics<arbitrary>], iteration_bounds = array<i64: 8>, scalar_prefetch = 0 : i64, scratch_operands = 1 : i64, tpu.core_type = #tpu.core_type<tc>, window_params = [{transform_indices = @transform_0, window_bounds = array<i64: 4096, 256>}, {pipeline_mode = #tpu.pipeline_mode<synchronous>, transform_indices = @transform_1, window_bounds = array<i64: 256, 256>}, {pipeline_mode = #tpu.pipeline_mode<synchronous>, transform_indices = @transform_2, window_bounds = array<i64: 1, 256>}, {pipeline_mode = #tpu.pipeline_mode<synchronous>, transform_indices = @transform_3, window_bounds = array<i64: 256, 256>}, {pipeline_mode = #tpu.pipeline_mode<synchronous>, transform_indices = @transform_4, window_bounds = array<i64: 1, 256>}, {pipeline_mode = #tpu.pipeline_mode<synchronous>, transform_indices = @transform_5, window_bounds = array<i64: 256, 256>}, {pipeline_mode = #tpu.pipeline_mode<synchronous>, transform_indices = @transform_6, window_bounds = array<i64: 1, 256>}, {pipeline_mode = #tpu.pipeline_mode<synchronous>, transform_indices = @transform_7, window_bounds = array<i64: 256, 1>}, {pipeline_mode = #tpu.pipeline_mode<synchronous>, transform_indices = @transform_8, window_bounds = array<i64: 1, 1>}, {transform_indices = @transform_9, window_bounds = array<i64: 1, 1, 4096>}, {transform_indices = @transform_10, window_bounds = array<i64: 32, 128>}, {pipeline_mode = #tpu.pipeline_mode<synchronous>, transform_indices = @transform_11, window_bounds = array<i64: 8, 128>}]} {
    %get3A = arith.constant 0 : index
    %get3A_0 = arith.constant 0 : index
    %get3A_1 = vector.load %arg1[%get3A, %get3A_0] : memref<4096x256xf32, #tpu.memory_space<vmem>>, vector<4096x256xf32>
    %get3A_2 = arith.constant 0 : index
    %get3A_3 = arith.constant 0 : index
    %get3A_4 = vector.load %arg2[%get3A_2, %get3A_3] : memref<256x256xf32, #tpu.memory_space<vmem>>, vector<256x256xf32>
    %dot_general3A = arith.constant dense<0.000000e+00> : vector<4096x256xf32>
    %dot_general3A_5 = tpu.matmul %get3A_1, %get3A_4, %dot_general3A {dimension_numbers = #tpu.dot_dimension_numbers<[1], [0], [0], [1], [0, 0, 1, 1], [], []>, transpose_lhs_hint = false} : vector<4096x256xf32>, vector<256x256xf32>, vector<4096x256xf32> -> vector<4096x256xf32>
    %get3A_6 = arith.constant 0 : index
    %get3A_7 = arith.constant 0 : index
    %get3A_8 = vector.load %arg3[%get3A_6, %get3A_7] : memref<1x256xf32, #tpu.memory_space<vmem>>, vector<1x256xf32>
    %add3A = vector.broadcast %get3A_8 : vector<1x256xf32> to vector<4096x256xf32>
    %add3A_9 = arith.addf %dot_general3A_5, %add3A : vector<4096x256xf32>
    %max3A = arith.constant 0.000000e+00 : f32
    %max3A_10 = vector.broadcast %max3A : f32 to vector<4096x256xf32>
    %max3A_11 = arith.maximumf %add3A_9, %max3A_10 : vector<4096x256xf32>
    %get3A_12 = arith.constant 0 : index
    %get3A_13 = arith.constant 0 : index
    %get3A_14 = vector.load %arg4[%get3A_12, %get3A_13] : memref<256x256xf32, #tpu.memory_space<vmem>>, vector<256x256xf32>
    %dot_general3A_15 = arith.constant dense<0.000000e+00> : vector<4096x256xf32>
    %dot_general3A_16 = tpu.matmul %max3A_11, %get3A_14, %dot_general3A_15 {dimension_numbers = #tpu.dot_dimension_numbers<[1], [0], [0], [1], [0, 0, 1, 1], [], []>, transpose_lhs_hint = false} : vector<4096x256xf32>, vector<256x256xf32>, vector<4096x256xf32> -> vector<4096x256xf32>
    %get3A_17 = arith.constant 0 : index
    %get3A_18 = arith.constant 0 : index
    %get3A_19 = vector.load %arg5[%get3A_17, %get3A_18] : memref<1x256xf32, #tpu.memory_space<vmem>>, vector<1x256xf32>
    %add3A_20 = vector.broadcast %get3A_19 : vector<1x256xf32> to vector<4096x256xf32>
    %add3A_21 = arith.addf %dot_general3A_16, %add3A_20 : vector<4096x256xf32>
    %max3A_22 = arith.constant 0.000000e+00 : f32
    %max3A_23 = vector.broadcast %max3A_22 : f32 to vector<4096x256xf32>
    %max3A_24 = arith.maximumf %add3A_21, %max3A_23 : vector<4096x256xf32>
    %get3A_25 = arith.constant 0 : index
    %get3A_26 = arith.constant 0 : index
    %get3A_27 = vector.load %arg6[%get3A_25, %get3A_26] : memref<256x256xf32, #tpu.memory_space<vmem>>, vector<256x256xf32>
    %dot_general3A_28 = arith.constant dense<0.000000e+00> : vector<4096x256xf32>
    %dot_general3A_29 = tpu.matmul %max3A_24, %get3A_27, %dot_general3A_28 {dimension_numbers = #tpu.dot_dimension_numbers<[1], [0], [0], [1], [0, 0, 1, 1], [], []>, transpose_lhs_hint = false} : vector<4096x256xf32>, vector<256x256xf32>, vector<4096x256xf32> -> vector<4096x256xf32>
    %get3A_30 = arith.constant 0 : index
    %get3A_31 = arith.constant 0 : index
    %get3A_32 = vector.load %arg7[%get3A_30, %get3A_31] : memref<1x256xf32, #tpu.memory_space<vmem>>, vector<1x256xf32>
    %add3A_33 = vector.broadcast %get3A_32 : vector<1x256xf32> to vector<4096x256xf32>
    %add3A_34 = arith.addf %dot_general3A_29, %add3A_33 : vector<4096x256xf32>
    %max3A_35 = arith.constant 0.000000e+00 : f32
    %max3A_36 = vector.broadcast %max3A_35 : f32 to vector<4096x256xf32>
    %max3A_37 = arith.maximumf %add3A_34, %max3A_36 : vector<4096x256xf32>
    %get3A_38 = arith.constant 0 : index
    %get3A_39 = arith.constant 0 : index
    %get3A_40 = vector.load %arg8[%get3A_38, %get3A_39] : memref<256x1xf32, #tpu.memory_space<vmem>>, vector<256x1xf32>
    %dot_general3A_41 = arith.constant dense<0.000000e+00> : vector<1x4096xf32>
    %dot_general3A_42 = tpu.matmul %get3A_40, %max3A_37, %dot_general3A_41 {dimension_numbers = #tpu.dot_dimension_numbers<[0], [1], [1], [0], [0, 1, 1, 0], [], []>, transpose_lhs_hint = false} : vector<256x1xf32>, vector<4096x256xf32>, vector<1x4096xf32> -> vector<1x4096xf32>
    %get3A_43 = arith.constant 0 : index
    %get3A_44 = arith.constant 0 : index
    %get3A_45 = vector.load %arg9[%get3A_43, %get3A_44] : memref<1x1xf32, #tpu.memory_space<vmem>>, vector<1x1xf32>
    %add3A_46 = vector.broadcast %get3A_45 : vector<1x1xf32> to vector<1x4096xf32>
    %add3A_47 = arith.addf %dot_general3A_42, %add3A_46 : vector<1x4096xf32>
    %reshape3A = vector.shape_cast %add3A_47 : vector<1x4096xf32> to vector<32x128xf32>
    %swap3A = arith.constant 0 : index
    %swap3A_48 = arith.constant 0 : index
    %swap3A_49 = vector.load %arg11[%swap3A, %swap3A_48] : memref<32x128xf32, #tpu.memory_space<vmem>>, vector<32x128xf32>
    tpu.vector_store %arg11[%swap3A, %swap3A_48], %reshape3A {strides = array<i32>} : memref<32x128xf32, #tpu.memory_space<vmem>>, vector<32x128xf32>,
    %get3A_50 = arith.constant 0 : index
    %get3A_51 = arith.constant 0 : index
    %get3A_52 = arith.constant 0 : index
    %get3A_53 = vector.load %arg10[%get3A_50, %get3A_51, %get3A_52] : memref<1x1x4096xi32, #tpu.memory_space<vmem>>, vector<1x1x4096xi32>
    %get3A_54 = vector.shape_cast %get3A_53 : vector<1x1x4096xi32> to vector<1x4096xi32>
    %iota3A = tpu.iota {dimensions = array<i32: 0>} : vector<16x4096xi32>
    %eq3A = vector.broadcast %get3A_54 : vector<1x4096xi32> to vector<16x4096xi32>
    %eq3A_55 = arith.cmpi eq, %eq3A, %iota3A : vector<16x4096xi32>
    %convert_element_type3A = arith.extui %eq3A_55 : vector<16x4096xi1> to vector<16x4096xi32>
    %reduce_sum3A = arith.constant dense<0> : vector<16xi32>
    %reduce_sum3A_56 = vector.multi_reduction <add>, %convert_element_type3A, %reduce_sum3A [1] : vector<16x4096xi32> to vector<16xi32>
    %broadcast_in_dim3A = vector.shape_cast %reduce_sum3A_56 : vector<16xi32> to vector<16x1xi32>
    %eq3A_57 = arith.constant 0 : i32
    %eq3A_58 = arith.cmpi eq, %arg0, %eq3A_57 : i32
    %convert_element_type3A_59 = arith.extui %eq3A_58 : i1 to i32
    %cond3A = arith.constant 0 : i32
    %cond3A_60 = arith.cmpi ne, %convert_element_type3A_59, %cond3A : i32
    scf.if %cond3A_60 {
      %swap3A_70 = arith.constant 0 : index
      %swap3A_71 = arith.constant 0 : index
      %swap3A_72 = vector.load %arg13[%swap3A_70, %swap3A_71] : memref<16x1xi32, #tpu.memory_space<vmem>>, vector<16x1xi32>
      tpu.vector_store %arg13[%swap3A_70, %swap3A_71], %broadcast_in_dim3A {strides = array<i32>} : memref<16x1xi32, #tpu.memory_space<vmem>>, vector<16x1xi32>,
    } else {
    }
    %ne3A = arith.constant 0 : i32
    %ne3A_61 = arith.cmpi ne, %arg0, %ne3A : i32
    %convert_element_type3A_62 = arith.extui %ne3A_61 : i1 to i32
    %cond3A_63 = arith.constant 0 : i32
    %cond3A_64 = arith.cmpi ne, %convert_element_type3A_62, %cond3A_63 : i32
    scf.if %cond3A_64 {
      %get3A_70 = arith.constant 0 : index
      %get3A_71 = arith.constant 0 : index
      %get3A_72 = vector.load %arg13[%get3A_70, %get3A_71] : memref<16x1xi32, #tpu.memory_space<vmem>>, vector<16x1xi32>
      %add3A_73 = arith.addi %get3A_72, %broadcast_in_dim3A : vector<16x1xi32>
      %swap3A_74 = arith.constant 0 : index
      %swap3A_75 = arith.constant 0 : index
      %swap3A_76 = vector.load %arg13[%swap3A_74, %swap3A_75] : memref<16x1xi32, #tpu.memory_space<vmem>>, vector<16x1xi32>
      tpu.vector_store %arg13[%swap3A_74, %swap3A_75], %add3A_73 {strides = array<i32>} : memref<16x1xi32, #tpu.memory_space<vmem>>, vector<16x1xi32>,
    } else {
    }
    %eq3A_65 = arith.constant 7 : i32
    %eq3A_66 = arith.cmpi eq, %arg0, %eq3A_65 : i32
    %convert_element_type3A_67 = arith.extui %eq3A_66 : i1 to i32
    %cond3A_68 = arith.constant 0 : i32
    %cond3A_69 = arith.cmpi ne, %convert_element_type3A_67, %cond3A_68 : i32
    scf.if %cond3A_69 {
      %get3A_70 = arith.constant 0 : index
      %get3A_71 = arith.constant 0 : index
      %get3A_72 = vector.load %arg13[%get3A_70, %get3A_71] : memref<16x1xi32, #tpu.memory_space<vmem>>, vector<16x1xi32>
      %convert_element_type3A_73 = arith.sitofp %get3A_72 : vector<16x1xi32> to vector<16x1xf32>
      %iota3A_74 = tpu.iota {dimensions = array<i32: 0>} : vector<16x16xi32>
      %iota3A_75 = tpu.iota {dimensions = array<i32: 1>} : vector<16x16xi32>
      %lt3A = arith.cmpi slt, %iota3A_75, %iota3A_74 : vector<16x16xi32>
      %convert_element_type3A_76 = arith.extui %lt3A : vector<16x16xi1> to vector<16x16xi32>
      %convert_element_type3A_77 = arith.sitofp %convert_element_type3A_76 : vector<16x16xi32> to vector<16x16xf32>
      %dot_general3A_78 = arith.constant dense<0.000000e+00> : vector<16x1xf32>
      %dot_general3A_79 = tpu.matmul %convert_element_type3A_77, %convert_element_type3A_73, %dot_general3A_78 {dimension_numbers = #tpu.dot_dimension_numbers<[1], [0], [0], [1], [0, 0, 1, 1], [], []>, transpose_lhs_hint = false} : vector<16x16xf32>, vector<16x1xf32>, vector<16x1xf32> -> vector<16x1xf32>
      %reshape3A_80 = vector.shape_cast %dot_general3A_79 : vector<16x1xf32> to vector<1x16xf32>
      %reshape3A_81 = vector.shape_cast %convert_element_type3A_73 : vector<16x1xf32> to vector<1x16xf32>
      %broadcast_in_dim3A_82 = arith.constant 0.000000e+00 : f32
      %broadcast_in_dim3A_83 = vector.broadcast %broadcast_in_dim3A_82 : f32 to vector<1x96xf32>
      %concatenate3A = tpu.concatenate %reshape3A_80, %reshape3A_81, %broadcast_in_dim3A_83 in 1 : vector<1x16xf32>, vector<1x16xf32>, vector<1x96xf32> -> vector<1x128xf32>
      %broadcast_in_dim3A_84 = arith.constant 0.000000e+00 : f32
      %broadcast_in_dim3A_85 = vector.broadcast %broadcast_in_dim3A_84 : f32 to vector<7x128xf32>
      %concatenate3A_86 = tpu.concatenate %concatenate3A, %broadcast_in_dim3A_85 in 0 : vector<1x128xf32>, vector<7x128xf32> -> vector<8x128xf32>
      %swap3A_87 = arith.constant 0 : index
      %swap3A_88 = arith.constant 0 : index
      %swap3A_89 = vector.load %arg12[%swap3A_87, %swap3A_88] : memref<8x128xf32, #tpu.memory_space<vmem>>, vector<8x128xf32>
      tpu.vector_store %arg12[%swap3A_87, %swap3A_88], %concatenate3A_86 {strides = array<i32>} : memref<8x128xf32, #tpu.memory_space<vmem>>, vector<8x128xf32>,
    } else {
    }
    return
  }
  func.func @transform_0(%arg0: i32) -> (i32, i32) {
    %c0_i32 = arith.constant 0 : i32
    %c0_i32_0 = arith.constant 0 : i32
    return %arg0, %c0_i32 : i32, i32
  }
  func.func @transform_1(%arg0: i32) -> (i32, i32) {
    %c0_i32 = arith.constant 0 : i32
    %c0_i32_0 = arith.constant 0 : i32
    %c0_i32_1 = arith.constant 0 : i32
    return %c0_i32, %c0_i32_0 : i32, i32
  }
  func.func @transform_2(%arg0: i32) -> (i32, i32) {
    %c0_i32 = arith.constant 0 : i32
    %c0_i32_0 = arith.constant 0 : i32
    %c0_i32_1 = arith.constant 0 : i32
    return %c0_i32, %c0_i32_0 : i32, i32
  }
  func.func @transform_3(%arg0: i32) -> (i32, i32) {
    %c0_i32 = arith.constant 0 : i32
    %c0_i32_0 = arith.constant 0 : i32
    %c0_i32_1 = arith.constant 0 : i32
    return %c0_i32, %c0_i32_0 : i32, i32
  }
  func.func @transform_4(%arg0: i32) -> (i32, i32) {
    %c0_i32 = arith.constant 0 : i32
    %c0_i32_0 = arith.constant 0 : i32
    %c0_i32_1 = arith.constant 0 : i32
    return %c0_i32, %c0_i32_0 : i32, i32
  }
  func.func @transform_5(%arg0: i32) -> (i32, i32) {
    %c0_i32 = arith.constant 0 : i32
    %c0_i32_0 = arith.constant 0 : i32
    %c0_i32_1 = arith.constant 0 : i32
    return %c0_i32, %c0_i32_0 : i32, i32
  }
  func.func @transform_6(%arg0: i32) -> (i32, i32) {
    %c0_i32 = arith.constant 0 : i32
    %c0_i32_0 = arith.constant 0 : i32
    %c0_i32_1 = arith.constant 0 : i32
    return %c0_i32, %c0_i32_0 : i32, i32
  }
  func.func @transform_7(%arg0: i32) -> (i32, i32) {
    %c0_i32 = arith.constant 0 : i32
    %c0_i32_0 = arith.constant 0 : i32
    %c0_i32_1 = arith.constant 0 : i32
    return %c0_i32, %c0_i32_0 : i32, i32
  }
  func.func @transform_8(%arg0: i32) -> (i32, i32) {
    %c0_i32 = arith.constant 0 : i32
    %c0_i32_0 = arith.constant 0 : i32
    %c0_i32_1 = arith.constant 0 : i32
    return %c0_i32, %c0_i32_0 : i32, i32
  }
  func.func @transform_9(%arg0: i32) -> (i32, i32, i32) {
    %c0_i32 = arith.constant 0 : i32
    %c0_i32_0 = arith.constant 0 : i32
    %c0_i32_1 = arith.constant 0 : i32
    return %arg0, %c0_i32, %c0_i32_0 : i32, i32, i32
  }
  func.func @transform_10(%arg0: i32) -> (i32, i32) {
    %c0_i32 = arith.constant 0 : i32
    %c0_i32_0 = arith.constant 0 : i32
    return %arg0, %c0_i32 : i32, i32
  }
  func.func @transform_11(%arg0: i32) -> (i32, i32) {
    %c0_i32 = arith.constant 0 : i32
    %c0_i32_0 = arith.constant 0 : i32
    %c0_i32_1 = arith.constant 0 : i32
    return %c0_i32, %c0_i32_0 : i32, i32
  }
}

</mosaic_0001>

<sc_bundles>
// kernel: kernel.4.cloned.1.call-start
scs
__scs_entry_jumppad:
0x0: {  	(pc) =	sbr.rel $0x88, $3  }
0x1: {  	(tag) =	ssettag $0x0;
	lr =	simm.s32 $0x1  }
0x2: {  	[smem:$0x3F97] =	sst lr;
	_ =	strace $0xD0000000  }
0x3: {  	_ = 	snop  }
0x4: {  	_ = 	snop  }
0x5: {  	_ = 	snop  }
0x6: {  	_ = 	snop  }
0x7: {  	_ = 	snop  }
__scs_overlays_trampoline_lowered:
0x8: {  	[smem:$0x3FA6] =	sst s0  }
0x9: {  	[smem:$0x3FA7] =	sst s1  }
0xa: {  	[smem:$0x3FA8] =	sst s2  }
0xb: {  	[smem:$0x3FA9] =	sst s3  }
0xc: {  	[smem:$0x3FAA] =	sst s4  }
0xd: {  	[smem:$0x3FAB] =	sst s5  }
0xe: {  	[smem:$0x3FAC] =	sst s6  }
0xf: {  	[smem:$0x3FAD] =	sst s7  }
0x10: {  	[smem:$0x3FAE] =	sst s8  }
0x11: {  	[smem:$0x3FAF] =	sst s9;
	s0 =	simm.s32 @!p0 $0x0  }
0x12: {  	s1 =	sld [smem:$0x3F95];
	s0 =	simm.s32 @p0 $0x1  }
0x13: {  	[smem:$0x3FB0] =	sst s0;
	s0 =	simm.s32 @!p1 $0x0  }
0x14: {  	s2 =	sld [smem:$0x3F94];
	s0 =	simm.s32 @p1 $0x1  }
0x15: {  	[smem:$0x3FB1] =	sst s0;
	s0 =	simm.s32 @!p2 $0x0  }
0x16: {  	s3 =	sld [smem:$0x3FDB];
	s0 =	simm.s32 @p2 $0x1  }
0x17: {  	s4 =	simm.s32 $0x1BF5;
	[smem:$0x3FB3] =	sst s0  }
0x18: {  	s0 =	sld [smem:$0x3F96];
	_ =	swait.ge [sflag:s4], $0x0  }
0x19: {  	s7 =	sld [smem:$0x3F97]  }
0x1a: {  	s8 =	sadd.s32 $0xFFFFE003, lr  }
0x1b: {  	s9 =	sadd.s32 $0xFFFFFEF7, lr;
	s5 =	simm.s32 $0xFFFFFFFF;
	p2 =	slt.u32 s8, $0xFFFFF086  }
0x1c: {  	p1 =	slt.u32 s9, $0xF7A;
	s5 =	simm.s32 @!p2 $0x0  }
0x1d: {  	s5 =	simm.s32 @p1 $0x1;
	p0 =	seq.s32 s7, s2  }
0x1e: {  	s7 =	smul.u32 @!p0 $0xF7A, s2;
	p2 =	seq.s32 @!p0 s5, $0x0  }
0x1f: {  	s9 =	smul.u32 $0xF7A, s1;
	s8 =	simm.s32 @!p0 $0x1BF5;
	p2 =	por !p2, p0  }
0x20: {  	[sflag:s8] =	ssyncset.s32 @!p0 $0xFFFFF086;
	s6 =	sadd.s32 @!p0 s3, s7;
	s7 =	simm.s32 @!p0 $0x108  }
0x21: {  	s3 =	sadd.s32 s3, s9;
	s6 =	sadd.s32 @!p0 $0x88, s6;
	s7 =	simm.s32 @p2 $0x1082  }
0x22: {  	[simem:s7], [sflag:s8] =	dma.local @!p0 [hbm:s6], $0xF7A  }
0x23: {  	s9 =	sor.u32 $0xD0000000, s2;
	s6 =	simm.s32 $0x108;
	_ =	swait.ge @!p0 [sflag:s8], $0x0  }
0x24: {  	s3 =	sadd.s32 $0x88, s3;
	s6 =	simm.s32 @!p1 $0x1082;
	[sflag:s4] =	ssyncset.s32 $0xFFFFF086  }
0x25: {  	[simem:s6], [sflag:s4] =	dma.local [hbm:s3], $0xF7A  }
0x26: {  	[smem:$0x3F97] =	sst s1;
	(tag) =	ssettag s2;
	_ =	strace s9  }
0x27: {  	s1 =	sld [smem:$0x3FA7]  }
0x28: {  	s2 =	sld [smem:$0x3FA8]  }
0x29: {  	s4 =	sld [smem:$0x3FAA]  }
0x2a: {  	p0 =	seq.s32 s5, $0x0;
	s5 =	sld [smem:$0x3FAB]  }
0x2b: {  	s6 =	sld [smem:$0x3FAC]  }
0x2c: {  	s7 =	sld [smem:$0x3FAD]  }
0x2d: {  	s3 =	simm.s32 $0x108;
	s8 =	sld [smem:$0x3FAE]  }
0x2e: {  	s3 =	simm.s32 @!p0 $0x1082;
	s9 =	sld [smem:$0x3FAF]  }
0x2f: {  	lr =	sadd.s32 s0, s3;
	s0 =	sld [smem:$0x3FA6]  }
0x30: {  	s3 =	sld [smem:$0x3FA9]  }
0x31: {  	[smem:$0x3FB2] =	sst s10  }
0x32: {  	s10 =	sld [smem:$0x3FB0];
	_ =	sdelay $0x3  }
0x33: {  	p0 =	seq.s32 s10, $0x1;
	s10 =	sld [smem:$0x3FB2];
	_ =	sdelay $0x3  }
0x34: {  	[smem:$0x3FB2] =	sst s10  }
0x35: {  	s10 =	sld [smem:$0x3FB1];
	_ =	sdelay $0x3  }
0x36: {  	p1 =	seq.s32 s10, $0x1;
	s10 =	sld [smem:$0x3FB2];
	_ =	sdelay $0x3  }
0x37: {  	[smem:$0x3FB2] =	sst s10  }
0x38: {  	s10 =	sld [smem:$0x3FB3]  }
0x39: {  	_ = 	snop;
	(pc) =	sbr.ind lr, $3  }
0x3a: {  	_ = 	snop  }
0x3b: {  	_ = 	snop  }
0x3c: {  	p2 =	seq.s32 s10, $0x1;
	s10 =	sld [smem:$0x3FB2]  }
0x3d: {  	_ =	shalt  }
0x3e: {  	_ =	shalt  }
0x3f: {  	_ =	shalt  }
0x40: {  	_ =	shalt  }
0x41: {  	_ =	shalt  }
0x42: {  	_ =	shalt  }
0x43: {  	_ =	shalt  }
0x44: {  	_ =	shalt  }
0x45: {  	_ =	shalt  }
0x46: {  	_ =	shalt  }
0x47: {  	_ =	shalt  }
0x48: {  	_ =	shalt  }
0x49: {  	_ =	shalt  }
0x4a: {  	_ =	shalt  }
0x4b: {  	_ =	shalt  }
0x4c: {  	_ =	shalt  }
0x4d: {  	_ =	shalt  }
0x4e: {  	_ =	shalt  }
0x4f: {  	_ =	shalt  }
0x50: {  	_ =	shalt  }
0x51: {  	_ =	shalt  }
0x52: {  	_ =	shalt  }
0x53: {  	_ =	shalt  }
0x54: {  	_ =	shalt  }
0x55: {  	_ =	shalt  }
0x56: {  	_ =	shalt  }
0x57: {  	_ =	shalt  }
0x58: {  	_ =	shalt  }
0x59: {  	_ =	shalt  }
0x5a: {  	_ =	shalt  }
0x5b: {  	_ =	shalt  }
0x5c: {  	_ =	shalt  }
0x5d: {  	_ =	shalt  }
0x5e: {  	_ =	shalt  }
0x5f: {  	_ =	shalt  }
0x60: {  	_ =	shalt  }
0x61: {  	_ =	shalt  }
0x62: {  	_ =	shalt  }
0x63: {  	_ =	shalt  }
0x64: {  	_ =	shalt  }
0x65: {  	_ =	shalt  }
0x66: {  	_ =	shalt  }
0x67: {  	_ =	shalt  }
0x68: {  	_ =	shalt  }
0x69: {  	_ =	shalt  }
0x6a: {  	_ =	shalt  }
0x6b: {  	_ =	shalt  }
0x6c: {  	_ =	shalt  }
0x6d: {  	_ =	shalt  }
0x6e: {  	_ =	shalt  }
0x6f: {  	_ =	shalt  }
0x70: {  	_ =	shalt  }
0x71: {  	_ =	shalt  }
0x72: {  	_ =	shalt  }
0x73: {  	_ =	shalt  }
0x74: {  	_ =	shalt  }
0x75: {  	_ =	shalt  }
0x76: {  	_ =	shalt  }
0x77: {  	_ =	shalt  }
0x78: {  	_ =	shalt  }
0x79: {  	_ =	shalt  }
0x7a: {  	_ =	shalt  }
0x7b: {  	_ =	shalt  }
0x7c: {  	_ =	shalt  }
0x7d: {  	_ =	shalt  }
0x7e: {  	_ =	shalt  }
0x7f: {  	_ =	shalt  }
0x80: {  	_ =	shalt  }
0x81: {  	_ =	shalt  }
0x82: {  	_ =	shalt  }
0x83: {  	_ =	shalt  }
0x84: {  	_ =	shalt  }
0x85: {  	_ =	shalt  }
0x86: {  	_ =	shalt  }
0x87: {  	_ =	shalt  }
.Lfunc_end0:
.L_simem_size_0:
called_computation_lowered:
.L_overlay_start_0:
0x88: {  	s2 =	sld [smem:$0x3FD9]  }
0x89: {  	s3 =	sld [smem:$0x3FFE];
	_ =	sdelay $0x1  }
0x8a: {  	s1 =	srdreg.scid  }
0x8b: {  	s0 =	sand.u32 $0x1, s1  }
0x8c: {  	s17 =	sshll.u32 s0, $0xA;
	s2 =	sadd.s32 s3, s2  }
0x8d: {  	s2 =	sadd.s32 s2, s17  }
0x8e: {  	[smem:$0x3FBE] =	sst s2  }
0x8f: {  	_ = 	snop  }
0x90: {  	s2 =	sld [smem:$0x3FD0];
	(tm) =	ssettm $0x1  }
0x91: {  	s18 =	sld [smem:$0x3FFB];
	_ =	sdelay $0x3  }
0x92: {  	_ =	strace s18  }
0x93: {  	s3 =	sld [smem:$0x3FFC];
	_ =	sdelay $0x3  }
0x94: {  	_ =	strace s3  }
0x95: {  	s3 =	sld [smem:$0x3FFD];
	_ =	sdelay $0x3  }
0x96: {  	_ =	strace s3  }
0x97: {  	_ =	strace $0x8FFFFFFF  }
0x98: {  	s19 =	sld [smem:$0x3FDB];
	_ =	sdelay $0x1  }
0x99: {  	s4 =	simm.s32 $_scs_section_size  }
0x9a: {  	s5 =	simm.s32 $_size__tile_overlayer_lowered;
	s6 =	simm.s32 $_tile_overlayer_lowered  }
0x9b: {  	s22 =	simm.s32 $0x1BFF;
	s21 =	sshll.u32 s6, $0x1;
	s3 =	sadd.s32 s4, s19  }
0x9c: {  	s7 =	simm.s32 $0x0;
	s20 =	sshll.u32 s5, $0x1;
	s5 =	sadd.s32 s21, s3  }
0x9d: {  	[timem:s7], [sflag:s22] =	dma.local [hbm:s5], s20  }
0x9e: {  	_ =	swait.ge [sflag:s22], s20  }
0x9f: {  	s4 =	ssub.s32 $0x0, s20;
	[sflag:s22] =	ssyncset.done $0x0  }
0xa0: {  	[sflag:s22] =	ssyncadd.s32 s4;
	_ =	sdelay $0x1  }
0xa1: {  	s23 =	simm.s32 $0x1B8B  }
0xa2: {  	_ =	swait.ge [sflag:s23], $0x1  }
0xa3: {  	[sflag:s23] =	ssyncset.done $0x0  }
0xa4: {  	s25 =	simm.s32 $0x1B8E;
	s24 =	sld [smem:$0x3FFE];
	[sflag:s23] =	ssyncadd.s32 $0xFFFFFFFF  }
0xa5: {  	s26 =	simm.s32 $execute0_lowered;
	[smem:$0x3FD2] =	sst s25  }
0xa6: {  	s5 =	sshll.u32 s26, $0x1;
	_ =	strace $0x80000046;
	[dreg:$0x1] =	wrdreg $0xFFFFFFFF  }
0xa7: {  	s28 =	simm.s32 $_size_execute0_lowered;
	s3 =	sadd.s32 s3, s5;
	[dreg:$0x0] =	wrdreg $0x0  }
0xa8: {  	s5 =	sshll.u32 s28, $0x1;
	[dreg:$0x2] =	wrdreg s3  }
0xa9: {  	[dreg:$0x3] =	wrdreg s5  }
0xaa: {  	[dreg:$0x4] =	wrdreg $0xC0  }
0xab: {  	_ =	task [dreg:s7], $0x5FFFF  }
0xac: {  	[dreg:$0x1] =	wrdreg $0xFFFFFFFF  }
0xad: {  	[dreg:$0x0] =	wrdreg $0x60  }
0xae: {  	[dreg:$0x2] =	wrdreg s24  }
0xaf: {  	[dreg:$0x3] =	wrdreg s2  }
0xb0: {  	[dreg:$0x4] =	wrdreg $0x9  }
0xb1: {  	_ =	task.clear_ibuf [dreg:s7], $0x5FFFF;
	_ =	strace $0x90000046  }
0xb2: {  	s29 =	simm.s32 $0x9;
	_ =	strace $0x80000048  }
0xb3: {  	_ =	swait.ge [sflag:s29], $0x1  }
0xb4: {  	[sflag:s29] =	ssyncadd.s32 $0xFFFFFFFF  }
0xb5: {  	_ =	strace $0x90000048  }
0xb6: {  	_ =	sfence  }
0xb7: {  	s30 =	sld [smem:$0x0];
	_ =	sdelay $0x2  }
0xb8: {  	s31 =	sshll.u32 s1, $0xD;
	s1 =	sshrl.u32 s1, $0x2  }
0xb9: {  	s3 =	sand.u32 $0x4000, s31;
	s1 =	sadd.s32 s1, s30  }
0xba: {  	s0 =	sor.u32 s3, s0;
	s1 =	sshll.u32 s1, $0x11  }
0xbb: {  	s0 =	sor.u32 s1, s0  }
0xbc: {  	s0 =	sadd.s32 $0x8F2B, s0  }
0xbd: {  	[sflag:s0] =	ssyncadd.remote.s32 $0x1  }
0xbe: {  	_ =	sfence.sel $0xFFFF  }
0xbf: {  	[dreg:$0x0] =	wrdreg $0xFFFFFFFF;
	(pc) =	sbr.abs _section_cstart, $3  }
0xc0: {  	[dreg:$0x1] =	wrdreg $0xFFFFFFFF  }
0xc1: {  	_ =	task.clear_ibuf [dreg:s7], $0x2FFFF;
	_ =	strace $0x9FFFFFFF  }
0xc2: {  	(tm) =	ssettm $0x7FFFFFFF  }
0xc3: {  	_ =	shalt  }
tec
execute0_lowered:
.L_overlay_start_1:
0x0: {  	(tag) =	ssettag $0x1  }
0x1: {  	s1 =	srdreg.scid  }
0x2: {  	s0 =	stileid.u32;
	s5 =	rddreg [dreg:$0x0];
	s7 =	sand.u32 $0x1, s1  }
0x3: {  	s8 =	rddreg [dreg:$0x1];
	s1 =	sor.u32 s7, s0  }
0x4: {  	s3 =	simm.s32 $0x1;
	p1 =	seq.s32 s7, $0x1;
	p0 =	seq.s32 s1, $0x0  }
0x5: {  	s2 =	simm.s32 $0x0;
	s12 =	simm.s32 $0x400;
	p0 =	por !p0, !p1  }
0x6: {  	s13 =	simm.s32 $0x900;
	s14 =	simm.s32 $0x0;
	p0 =	por !p0, !p0  }
0x7: {  	[smem:$0x7FF] =	sst s2;
	s6 =	sshll.u32 s7, $0xE;
	s3 =	simm.s32 @!p0 $0x0  }
0x8: {  	s10 =	ssub.s32 $0x2, s7;
	s7 =	sshll.u32 s7, $0xB;
	s3 =	ssub.s32 s0, s3  }
0x9: {  	s1 =	rddreg [dreg:$0x2];
	_ =	strace $0x80000047;
	s4 =	sshll.u32 s3, $0xC  }
0xa: {  	s11 =	sshrl.u32 s10, $0x1;
	s9 =	sshll.u32 s3, $0x7;
	s4 =	sand.u32 $0xFFFF8000, s4  }
0xb: {  	s30 =	ssub.s32 s10, s11;
	s9 =	sand.u32 $0x380, s9;
	s6 =	sor.u32 s6, s4  }
0xc: {  	s10 =	sor.u32 $0x70, s7;
	s11 =	simm.s32 $0x80;
	s6 =	sor.u32 s9, s6  }
0xd: {  	s4 =	sadd.s32 $0x1800, s5;
	s5 =	sadd.s32 $0x2C00, s5;
	s31 =	sshrl.u32 s6, $0x3  }
0xe: {  	v0 =	vlaneseq.u32;
	s9 =	smax.u32 s30, $0x1;
	s6 =	simm.s32 $0x1;
	s8 =	sadd.s32 s8, s31  }
.LBB2_1:
0xf: {  	[tilespmem:s2], [sflag:$0x1] =	stream.linear.gather [hbm4b:s5+s2], $0x20, $0x38;
	[tilespmem:$0x1100] =	vst v63  }
0x10: {  	_ =	swait.ge [sflag:s6], $0x20  }
0x11: {  	[sflag:s6] =	ssyncset.done $0x0  }
0x12: {  	[sflag:s6] =	ssyncadd.s32 $0xFFFFFFE0  }
0x13: {  	v1 =	vld.msk [tilespmem:s3+$0x0], $0x1;
	_ =	sdelay $0x4  }
0x14: {  	(v2sf) =	vpush v1, $0x0;
	_ =	sdelay $0xa  }
0x15: {  	v1 =	vld.msk [tilespmem:s3+$0x10], $0x1;
	_ =	sdelay $0x3  }
0x16: {  	s15 =	spop (v2sf)  }
0x17: {  	(v2sf) =	vpush v1, $0x0;
	s15 =	scvt.f32.s32 s15;
	_ =	sdelay $0x1  }
0x18: {  	s15 =	sadd.s32 s15, s7  }
0x19: {  	p0 =	slt.s32 s15, $0x8000  }
0x1a: {  	p1 =	slt.s32 s15, $0x1;
	s15 =	simm.s32 @!p0 $0x8000  }
0x1b: {  	s16 =	sand.u32 $0xF, s15  }
0x1c: {  	s17 =	sshra.s32 s15, $0x1F;
	p6 =	sne.s32 s16, $0x0  }
0x1d: {  	s21 =	sshrl.u32 s17, $0x1C;
	p0 =	por !p1, !p6  }
0x1e: {  	s17 =	simm.s32 $0x1;
	s16 =	sadd.s32 s21, s15;
	p0 =	por !p0, !p0  }
0x1f: {  	s16 =	sshra.s32 s16, $0x4;
	s17 =	simm.s32 @!p0 $0x0  }
0x20: {  	s16 =	ssub.s32 s16, s17  }
0x21: {  	s17 =	sshll.u32 s16, $0x1  }
0x22: {  	s17 =	sand.u32 $0x1FFFFFFE, s17  }
0x23: {  	s17 =	sadd.s32 s4, s17  }
0x24: {  	[tilespmem:s11], [sflag:$0x1] =	stream.linear.gather [hbm4b:s17+s2], $0x810, $0x38;
	[tilespmem:$0x1100] =	vst v63  }
0x25: {  	s15 =	sshll.u32 s15, $0x2;
	s16 =	sshll.u32 s16, $0x6;
	s22 =	spop (v2sf)  }
0x26: {  	s15 =	ssub.s32 s15, s16;
	_ =	swait.ge [sflag:s6], $0x810  }
0x27: {  	s15 =	sshra.s32 s15, $0x2;
	[sflag:s6] =	ssyncset.done $0x0  }
0x28: {  	s23 =	sadd.s32 $0xC0, s15;
	s16 =	scvt.f32.s32 s22;
	[sflag:s6] =	ssyncadd.s32 $0xFFFFF7F0  }
0x29: {  	v2 =	vld [tilespmem:s23+$0xFFFFFFC0]  }
0x2a: {  	p0 =	slt.s32 s16, $0x1000  }
0x2b: {  	s24 =	sadd.s32 $0xFFFFFF90, s10;
	s16 =	simm.s32 @!p0 $0x1000  }
0x2c: {  	v3 =	vor.u32 s24, v0;
	v1 =	vmov s16  }
0x2d: {  	vm0 =	vlt.s32 v3, v1  }
0x2e: {  	s15 =	simm.s32 $0x940;
	v2 =	vnsel vm0, $0xFF800000, v2  }
0x2f: {  	[tilespmem:s15+$0xFFFFFFC0] =	vst v2  }
0x30: {  	v2 =	vld [tilespmem:s23+$0xFFFFFFD0];
	_ =	sdelay $0x1  }
0x31: {  	s25 =	sadd.s32 $0xFFFFFFA0, s10  }
0x32: {  	v3 =	vor.u32 s25, v0  }
0x33: {  	vm9 =	vlt.s32 v3, v1  }
0x34: {  	v2 =	vnsel vm9, $0xFF800000, v2  }
0x35: {  	[tilespmem:s15+$0xFFFFFFD0] =	vst v2  }
0x36: {  	v2 =	vld [tilespmem:s23+$0xFFFFFFE0];
	_ =	sdelay $0x1  }
0x37: {  	s26 =	sadd.s32 $0xFFFFFFB0, s10  }
0x38: {  	v3 =	vor.u32 s26, v0  }
0x39: {  	vm10 =	vlt.s32 v3, v1  }
0x3a: {  	v2 =	vnsel vm10, $0xFF800000, v2  }
0x3b: {  	[tilespmem:s15+$0xFFFFFFE0] =	vst v2  }
0x3c: {  	v2 =	vld [tilespmem:s23+$0xFFFFFFF0];
	_ =	sdelay $0x1  }
0x3d: {  	s28 =	sadd.s32 $0xFFFFFFC0, s10  }
0x3e: {  	v3 =	vor.u32 s28, v0  }
0x3f: {  	vm11 =	vlt.s32 v3, v1  }
0x40: {  	v2 =	vnsel vm11, $0xFF800000, v2  }
0x41: {  	[tilespmem:s15+$0xFFFFFFF0] =	vst v2  }
0x42: {  	v2 =	vld [tilespmem:s23+$0x0];
	_ =	sdelay $0x1  }
0x43: {  	s29 =	sadd.s32 $0xFFFFFFD0, s10  }
0x44: {  	v3 =	vor.u32 s29, v0  }
0x45: {  	vm12 =	vlt.s32 v3, v1  }
0x46: {  	v2 =	vnsel vm12, $0xFF800000, v2  }
0x47: {  	[tilespmem:s15+$0x0] =	vst v2  }
0x48: {  	v2 =	vld [tilespmem:s23+$0x10];
	_ =	sdelay $0x1  }
0x49: {  	s30 =	sadd.s32 $0xFFFFFFE0, s10  }
0x4a: {  	v3 =	vor.u32 s30, v0  }
0x4b: {  	vm13 =	vlt.s32 v3, v1  }
0x4c: {  	v2 =	vnsel vm13, $0xFF800000, v2  }
0x4d: {  	[tilespmem:s15+$0x10] =	vst v2  }
0x4e: {  	v2 =	vld [tilespmem:s23+$0x20];
	_ =	sdelay $0x1  }
0x4f: {  	s31 =	sadd.s32 $0xFFFFFFF0, s10  }
0x50: {  	v3 =	vor.u32 s31, v0  }
0x51: {  	vm14 =	vlt.s32 v3, v1  }
0x52: {  	v2 =	vnsel vm14, $0xFF800000, v2  }
0x53: {  	[tilespmem:s15+$0x20] =	vst v2  }
0x54: {  	v2 =	vld [tilespmem:s23+$0x30];
	_ =	sdelay $0x2  }
0x55: {  	v3 =	vor.u32 s10, v0  }
0x56: {  	vm15 =	vlt.s32 v3, v1  }
0x57: {  	v2 =	vnsel vm15, $0xFF800000, v2  }
0x58: {  	s18 =	smov.u32 s10;
	s17 =	sadd.s32 $0x80, s23;
	s16 =	simm.s32 $0x0;
	[tilespmem:s15+$0x30] =	vst v2  }
.LBB2_2:
0x59: {  	v2 =	vld [tilespmem:s17+$0xFFFFFFC0];
	s16 =	sadd.s32 $0x8, s16  }
0x5a: {  	s18 =	sadd.s32 $0x80, s18;
	p0 =	slt.u32 s16, $0x78  }
0x5b: {  	s19 =	sadd.s32 $0xFFFFFF90, s18  }
0x5c: {  	v3 =	vor.u32 s19, v0  }
0x5d: {  	vm0 =	vlt.s32 v3, v1  }
0x5e: {  	s15 =	sadd.s32 $0x80, s15;
	v2 =	vnsel vm0, $0xFF800000, v2  }
0x5f: {  	[tilespmem:s15+$0xFFFFFFC0] =	vst v2  }
0x60: {  	v2 =	vld [tilespmem:s17+$0xFFFFFFD0];
	_ =	sdelay $0x1  }
0x61: {  	s19 =	sadd.s32 $0xFFFFFFA0, s18  }
0x62: {  	v3 =	vor.u32 s19, v0  }
0x63: {  	vm0 =	vlt.s32 v3, v1  }
0x64: {  	v2 =	vnsel vm0, $0xFF800000, v2  }
0x65: {  	[tilespmem:s15+$0xFFFFFFD0] =	vst v2  }
0x66: {  	v2 =	vld [tilespmem:s17+$0xFFFFFFE0];
	_ =	sdelay $0x1  }
0x67: {  	s19 =	sadd.s32 $0xFFFFFFB0, s18  }
0x68: {  	v3 =	vor.u32 s19, v0  }
0x69: {  	vm0 =	vlt.s32 v3, v1  }
0x6a: {  	v2 =	vnsel vm0, $0xFF800000, v2  }
0x6b: {  	[tilespmem:s15+$0xFFFFFFE0] =	vst v2  }
0x6c: {  	v2 =	vld [tilespmem:s17+$0xFFFFFFF0];
	_ =	sdelay $0x1  }
0x6d: {  	s19 =	sadd.s32 $0xFFFFFFC0, s18  }
0x6e: {  	v3 =	vor.u32 s19, v0  }
0x6f: {  	vm0 =	vlt.s32 v3, v1  }
0x70: {  	v2 =	vnsel vm0, $0xFF800000, v2  }
0x71: {  	[tilespmem:s15+$0xFFFFFFF0] =	vst v2  }
0x72: {  	v2 =	vld [tilespmem:s17+$0x0];
	_ =	sdelay $0x1  }
0x73: {  	s19 =	sadd.s32 $0xFFFFFFD0, s18  }
0x74: {  	v3 =	vor.u32 s19, v0  }
0x75: {  	vm0 =	vlt.s32 v3, v1  }
0x76: {  	v2 =	vnsel vm0, $0xFF800000, v2  }
0x77: {  	[tilespmem:s15+$0x0] =	vst v2  }
0x78: {  	v2 =	vld [tilespmem:s17+$0x10];
	_ =	sdelay $0x1  }
0x79: {  	s19 =	sadd.s32 $0xFFFFFFE0, s18  }
0x7a: {  	v3 =	vor.u32 s19, v0  }
0x7b: {  	vm0 =	vlt.s32 v3, v1  }
0x7c: {  	v2 =	vnsel vm0, $0xFF800000, v2  }
0x7d: {  	[tilespmem:s15+$0x10] =	vst v2  }
0x7e: {  	v2 =	vld [tilespmem:s17+$0x20];
	_ =	sdelay $0x1  }
0x7f: {  	s19 =	sadd.s32 $0xFFFFFFF0, s18  }
0x80: {  	v3 =	vor.u32 s19, v0  }
0x81: {  	vm0 =	vlt.s32 v3, v1  }
0x82: {  	v2 =	vnsel vm0, $0xFF800000, v2  }
0x83: {  	[tilespmem:s15+$0x20] =	vst v2  }
0x84: {  	v2 =	vld [tilespmem:s17+$0x30];
	_ =	sdelay $0x1  }
.Ltmp0:
0x85: {  	(pc) =	sbr.rel @p0 .LBB2_2-.Ltmp0, $4  }
0x86: {  	v3 =	vor.u32 s18, v0  }
0x87: {  	vm0 =	vlt.s32 v3, v1  }
0x88: {  	v2 =	vnsel vm0, $0xFF800000, v2  }
0x89: {  	s17 =	sadd.s32 $0x80, s17;
	[tilespmem:s15+$0x30] =	vst v2  }
0x8a: {  	s14 =	sadd.s32 $0x1, s14  }
0x8b: {  	p0 =	sne.s32 s14, s9  }
.Ltmp1:
0x8c: {  	_ = 	snop;
	(pc) =	sbr.rel @p0 .LBB2_1-.Ltmp1, $4  }
0x8d: {  	[hbm4b:s8+s11] =	stream.strided.scatter [tilespmem:s13], [sflag:$0x1], $0x800, s12, s11, $0x38;
	[tilespmem:$0x1100] =	vst v63  }
0x8e: {  	_ =	swait.ge [sflag:s6], $0x800  }
0x8f: {  	[sflag:s6] =	ssyncset.done $0x0  }
0x90: {  	[sflag:s6] =	ssyncadd.s32 $0xFFFFF800  }
0x91: {  	_ =	sfence.sel $0x180000  }
0x92: {  	[bflag:$0x0] =	sbarrier.arrive $0xFFFF  }
0x93: {  	p0 =	sne.s32 s0, $0x0;
	_ =	strace $0x90000047  }
0x94: {  	s0 =	sadd.s32 @!p0 $0x100000, s1;
	[bflag:$0x2] =	sbarrier.arrive $0xFFFF  }
0x95: {  	[sflag:s0] =	ssyncadd.tile.s32 @!p0 $0x1;
	_ =	shalt  }
.Lfunc_end2:
_tile_overlayer_lowered:
.L_overlay_start_2:
0x96: {  	(tag) =	ssettag $0x2  }
0x97: {  	s0 =	rddreg [dreg:$0x0];
	s2 =	stileid.u32  }
0x98: {  	s1 =	rddreg [dreg:$0x1];
	p0 =	sne.s32 s2, $0x0  }
0x99: {  	s3 =	rddreg [dreg:$0x2];
	[bflag:$0x3] =	sbarrier.arrive $0xFFFF;
	s2 =	simm.s32 @!p0 $0x1C01  }
0x9a: {  	[timem:s3], [sflag:s2] =	dma.local @!p0 [hbm:s0], s1  }
0x9b: {  	s0 =	simm.s32 @!p0 $0x1  }
0x9c: {  	_ =	swait.ge @!p0 [sflag:s0], s1  }
0x9d: {  	s1 =	ssub.s32 @!p0 $0x0, s1;
	[sflag:s0] =	ssyncset.done @!p0 $0x0  }
0x9e: {  	[sflag:s0] =	ssyncadd.s32 @!p0 s1  }
0x9f: {  	[bflag:$0x3] =	sbarrier.arrive $0xFFFF  }
0xa0: {  	_ =	shalt  }

</sc_bundles>
